<compile_context>
chip_gen: v7x
topology: tpu7x:2x2x1
jax: 0.10.2.dev20260603
libtpu: 0.0.44.dev20260713+nightly
codegen_flags: <defaults>
</compile_context>

<pallas_src>
import functools

import jax
import jax.numpy as jnp
from jax.experimental import pallas as pl
from jax.experimental.pallas import tpu as pltpu
from jax.experimental.pallas import tpu_sc as plsc

C = 64
B = 16
N = 32768
SEG = N // B
SPB = 4
NBLK = B // SPB
BLK = SPB * SEG

_NC = 2
_NS = 16
_NW = _NC * _NS
_RPW = N // _NW
_LG = C // 16


def _sc_pool(x):
    mesh = plsc.VectorSubcoreMesh(core_axis_name="c", subcore_axis_name="s")

    @functools.partial(
        pl.kernel, mesh=mesh,
        out_type=jax.ShapeDtypeStruct((_NW, C), jnp.float32),
        scratch_types=[
            pltpu.VMEM((_RPW // 2, C), jnp.float32),
            pltpu.VMEM((C,), jnp.float32),
        ],
    )
    def k(x_hbm, out_hbm, xv, accv):
        w = jax.lax.axis_index("s") * _NC + jax.lax.axis_index("c")

        def body(r, carry):
            return tuple(carry[g] + xv[r, pl.ds(16 * g, 16)]
                         for g in range(_LG))

        acc = tuple(jnp.zeros((16,), jnp.float32) for _ in range(_LG))
        for half in range(2):
            pltpu.sync_copy(
                x_hbm.at[pl.ds(w * _RPW + half * (_RPW // 2), _RPW // 2)], xv)
            acc = jax.lax.fori_loop(0, _RPW // 2, body, acc)
        for g in range(_LG):
            accv[pl.ds(16 * g, 16)] = acc[g]
        pltpu.sync_copy(accv, out_hbm.at[w])

    return k(x)


def _tc_kernel(w2_ref, b2_ref, b1_ref, gamma_ref, beta_ref,
               x_ref, w1_ref, sel_ref, part_ref, out_ref,
               z_scr, wat_scr, gram_scr, stat_scr):
    i = pl.program_id(0)
    j = pl.program_id(1)

    @pl.when(jnp.logical_and(i == 0, j == 0))
    def _prologue():
        eye = (jax.lax.broadcasted_iota(jnp.int32, (C, C), 0)
               == jax.lax.broadcasted_iota(jnp.int32, (C, C), 1)
               ).astype(jnp.float32)
        wat_scr[...] = jax.lax.dot_general(
            eye, w1_ref[:, :C], (((1,), (1,)), ((), ())),
            preferred_element_type=jnp.float32)

    @pl.when(i == 0)
    def _phase0():
        x = x_ref[...]
        z_scr[j] = jnp.dot(x, wat_scr[...],
                           preferred_element_type=jnp.float32)
        g = jax.lax.dot_general(x, x, (((0,), (0,)), ((), ())),
                                preferred_element_type=jnp.float32)

        @pl.when(j == 0)
        def _init():
            gram_scr[...] = g

        @pl.when(j > 0)
        def _acc():
            gram_scr[...] += g

    @pl.when(jnp.logical_and(i == 0, j == NBLK - 1))
    def _finalize_stats():
        wat = wat_scr[...]
        pairsel = (jax.lax.broadcasted_iota(jnp.int32, (B, _NW), 1) // 2
                   == jax.lax.broadcasted_iota(jnp.int32, (B, _NW), 0)
                   ).astype(jnp.float32)
        xsum = jnp.dot(pairsel, part_ref[...],
                       preferred_element_type=jnp.float32)
        zsum = jnp.dot(xsum, wat, preferred_element_type=jnp.float32)
        means = xsum * (1.0 / SEG)
        h = jnp.maximum(
            jax.lax.dot_general(means, w2_ref[...], (((1,), (1,)), ((), ())),
                                preferred_element_type=jnp.float32)
            + b2_ref[...], 0.0)
        t = jax.lax.dot_general(h, w1_ref[:, C:], (((1,), (1,)), ((), ())),
                                preferred_element_type=jnp.float32) \
            + b1_ref[...]
        m = jnp.dot(gram_scr[...], wat, preferred_element_type=jnp.float32)
        z2 = jnp.sum(wat * m, axis=0, keepdims=True)
        mu = (jnp.sum(zsum, axis=0, keepdims=True)
              + SEG * jnp.sum(t, axis=0, keepdims=True)) * (1.0 / N)
        ey2 = (z2
               + 2.0 * jnp.sum(t * zsum, axis=0, keepdims=True)
               + SEG * jnp.sum(t * t, axis=0, keepdims=True)) * (1.0 / N)
        var = ey2 - mu * mu
        scale = gamma_ref[...] * jax.lax.rsqrt(var + 1e-5)
        shift = beta_ref[...] - mu * scale
        stat_scr[pl.ds(0, 1), :] = scale
        stat_scr[pl.ds(1, B), :] = shift + t * scale

    @pl.when(i == 1)
    def _phase1():
        shift2 = jax.lax.dot_general(
            sel_ref[...], stat_scr[pl.ds(1 + SPB * j, SPB), :],
            (((0,), (0,)), ((), ())), preferred_element_type=jnp.float32)
        out_ref[...] = jnp.maximum(
            z_scr[j] * stat_scr[pl.ds(0, 1), :] + shift2, 0.0)


@jax.jit
def _run(x, W2, b2, W1, b1, gamma, beta):
    partial = _sc_pool(x)
    sel = (jax.lax.broadcasted_iota(jnp.int32, (SPB, BLK), 1) // SEG
           == jax.lax.broadcasted_iota(jnp.int32, (SPB, BLK), 0)
           ).astype(jnp.float32)
    grid = (2, NBLK)
    return pl.pallas_call(
        _tc_kernel,
        grid=grid,
        in_specs=[
            pl.BlockSpec((C, C), lambda i, j: (0, 0)),
            pl.BlockSpec((1, C), lambda i, j: (0, 0)),
            pl.BlockSpec((1, C), lambda i, j: (0, 0)),
            pl.BlockSpec((1, C), lambda i, j: (0, 0)),
            pl.BlockSpec((1, C), lambda i, j: (0, 0)),
            pl.BlockSpec((BLK, C),
                         lambda i, j: (j * (1 - i) + i * (NBLK - 1), 0)),
            pl.BlockSpec((C, 2 * C), lambda i, j: (0, 0)),
            pl.BlockSpec((SPB, BLK), lambda i, j: (0, 0)),
            pl.BlockSpec((_NW, C), lambda i, j: (0, 0)),
        ],
        out_specs=pl.BlockSpec((BLK, C), lambda i, j: (j * i, 0)),
        out_shape=jax.ShapeDtypeStruct((N, C), jnp.float32),
        scratch_shapes=[
            pltpu.VMEM((NBLK, BLK, C), jnp.float32),
            pltpu.VMEM((C, C), jnp.float32),
            pltpu.VMEM((C, C), jnp.float32),
            pltpu.VMEM((1 + B, C), jnp.float32),
        ],
        compiler_params=pltpu.CompilerParams(
            dimension_semantics=("arbitrary", "arbitrary")),
    )(W2, b2.reshape(1, C), b1.reshape(1, C),
      gamma.reshape(1, C), beta.reshape(1, C), x, W1, sel, partial)


def kernel(p, x, o, W2, b2, W1, b1, gamma, beta):
    del p, o
    return _run(x, W2, b2, W1, b1, gamma, beta)

# --- scband reference (transcript-rebuilt; emitter-appended) ---
"""Pipeline reference for scband-transition-up-67439576482095 (READ-ONLY COPY).

The authoritative reference and input builder live on the scoring server;
editing this copy changes nothing except your own understanding.
"""

import jax, jax.numpy as jnp
import numpy as np

C = 64
B = 16
N = 32768

def setup_inputs(seed: int = 0) -> dict:
    key = jax.random.key(seed)
    k1, k2, k3, k4 = jax.random.split(key, 4)
    p = jax.random.normal(k1, (N, 3), dtype=jnp.float32)
    x = jax.random.normal(k2, (N, C), dtype=jnp.float32)
    # cumulative offsets per batch element (equal-sized segments summing to N)
    o = (jnp.arange(1, B + 1) * (N // B)).astype(jnp.int32)
    # linear2: Linear(in_planes, in_planes)
    W2 = (jax.random.normal(k3, (C, C), dtype=jnp.float32) * 0.02)
    b2 = jnp.zeros((C,), dtype=jnp.float32)
    # linear1: Linear(2*in_planes, in_planes) + BatchNorm1d(in_planes) + ReLU
    W1 = (jax.random.normal(k4, (C, 2 * C), dtype=jnp.float32) * 0.02)
    b1 = jnp.zeros((C,), dtype=jnp.float32)
    gamma = jnp.ones((C,), dtype=jnp.float32)
    beta = jnp.zeros((C,), dtype=jnp.float32)
    return {"p": p, "x": x, "o": o, "W2": W2, "b2": b2, "W1": W1, "b1": b1, "gamma": gamma, "beta": beta}

def reference(p, x, o, W2, b2, W1, b1, gamma, beta):
    # pxo2 is None branch: per-segment global pooling + MLP + concat + linear1
    nseg = o.shape[0]
    total = x.shape[0]
    counts = jnp.diff(jnp.concatenate([jnp.zeros((1,), dtype=o.dtype), o]))
    seg_ids = jnp.repeat(jnp.arange(nseg, dtype=jnp.int32), total // nseg)
    x_used = x[:total]
    # per-segment mean (x_bb = x_b.sum(0) / cnt)
    sums = jax.ops.segment_sum(x_used, seg_ids, num_segments=nseg)
    means = sums / counts.astype(x.dtype)[:, None]
    # linear2: Linear + ReLU on pooled features
    h = jax.nn.relu(means @ W2.T + b2)
    # concat per-token features with broadcast pooled features (repeat(cnt, 1))
    x_cat = jnp.concatenate([x_used, jnp.take(h, seg_ids, axis=0)], axis=1)
    # linear1: Linear(2C, C) + BatchNorm1d (training-mode batch stats) + ReLU
    y = x_cat @ W1.T + b1
    mu = jnp.mean(y, axis=0)
    var = jnp.var(y, axis=0)
    y = (y - mu) / jnp.sqrt(var + 1e-5) * gamma + beta
    return jax.nn.relu(y)

if __name__ == "__main__":
    import jax
    _d = setup_inputs()
    print(jax.jit(kernel)(*tuple(_d.values())))

</pallas_src>

<mosaic_0001>
#map = affine_map<(d0, d1) -> (0, 0)>
module attributes {stable_mosaic.version = 14 : i64} {
  func.func @k(%arg0: i32, %arg1: i32, %arg2: memref<32768x64xf32, #tpu.memory_space<hbm>>, %arg3: memref<32x64xf32, #tpu.memory_space<hbm>>, %arg4: memref<512x64xf32, #tpu.memory_space<vmem>>, %arg5: memref<64xf32, #tpu.memory_space<vmem>>) attributes {dimension_semantics = [#tpu.dimension_semantics<core_parallel>, #tpu.dimension_semantics<subcore_parallel>], iteration_bounds = array<i64: 2, 16>, scalar_prefetch = 0 : i64, scratch_operands = 2 : i64, tpu.core_type = #tpu.core_type<sc_vector_subcore>, window_params = [{transform_indices = #map}, {transform_indices = #map}]} {
    %mul3A = arith.constant 2 : i32
    %mul3A_0 = arith.muli %arg1, %mul3A : i32
    %add3A = arith.addi %mul3A_0, %arg0 : i32
    %broadcast_in_dim3A = arith.constant 0.000000e+00 : f32
    %broadcast_in_dim3A_1 = vector.broadcast %broadcast_in_dim3A : f32 to vector<16xf32>
    %broadcast_in_dim3A_2 = arith.constant 0.000000e+00 : f32
    %broadcast_in_dim3A_3 = vector.broadcast %broadcast_in_dim3A_2 : f32 to vector<16xf32>
    %broadcast_in_dim3A_4 = arith.constant 0.000000e+00 : f32
    %broadcast_in_dim3A_5 = vector.broadcast %broadcast_in_dim3A_4 : f32 to vector<16xf32>
    %broadcast_in_dim3A_6 = arith.constant 0.000000e+00 : f32
    %broadcast_in_dim3A_7 = vector.broadcast %broadcast_in_dim3A_6 : f32 to vector<16xf32>
    %mul3A_8 = arith.constant 1024 : i32
    %mul3A_9 = arith.muli %add3A, %mul3A_8 : i32
    %add3A_10 = arith.constant 0 : i32
    %add3A_11 = arith.addi %mul3A_9, %add3A_10 : i32
    "tpu.region"() ({
      %run_scoped3A = tpu.sem_alloc : memref<!tpu.dma_semaphore, #tpu.memory_space<semaphore_mem>>
      %dma_start3A = arith.constant 0 : i32
      %dma_start3A_42 = tpu.memref_slice %arg2[%add3A_11, %dma_start3A] : memref<32768x64xf32, #tpu.memory_space<hbm>> -> memref<512x64xf32, #tpu.memory_space<hbm>>
      %dma_start3A_43 = arith.constant 0 : i32
      %dma_start3A_44 = tpu.memref_slice %arg2[%add3A_11, %dma_start3A_43] : memref<32768x64xf32, #tpu.memory_space<hbm>> -> memref<512x64xf32, #tpu.memory_space<hbm>>
      tpu.enqueue_dma source(%dma_start3A_44 : memref<512x64xf32, #tpu.memory_space<hbm>>) target(%arg4 : memref<512x64xf32, #tpu.memory_space<vmem>>) target_semaphore(%run_scoped3A : memref<!tpu.dma_semaphore, #tpu.memory_space<semaphore_mem>>)
      %dma_wait3A = arith.constant 0 : i32
      %dma_wait3A_45 = tpu.memref_slice %arg2[%add3A_11, %dma_wait3A] : memref<32768x64xf32, #tpu.memory_space<hbm>> -> memref<512x64xf32, #tpu.memory_space<hbm>>
      %dma_wait3A_46 = arith.constant 0 : i32
      %dma_wait3A_47 = tpu.memref_slice %arg2[%add3A_11, %dma_wait3A_46] : memref<32768x64xf32, #tpu.memory_space<hbm>> -> memref<512x64xf32, #tpu.memory_space<hbm>>
      tpu.wait_dma2 semaphore(%run_scoped3A : memref<!tpu.dma_semaphore, #tpu.memory_space<semaphore_mem>>) src(%dma_wait3A_47 : memref<512x64xf32, #tpu.memory_space<hbm>>) dst(%arg4 : memref<512x64xf32, #tpu.memory_space<vmem>>)
      tpu.yield
    }) : () -> ()
    %scan3A = arith.constant 0 : i32
    %scan3A_12 = arith.constant 512 : i32
    %scan3A_13 = arith.addi %scan3A, %scan3A_12 : i32
    %scan3A_14 = arith.constant 1 : i32
    %scan3A_15:4 = scf.for %scan3A_42 = %scan3A to %scan3A_13 step %scan3A_14 iter_args(%scan3A_43 = %broadcast_in_dim3A_1, %scan3A_44 = %broadcast_in_dim3A_3, %scan3A_45 = %broadcast_in_dim3A_5, %scan3A_46 = %broadcast_in_dim3A_7) -> (vector<16xf32>, vector<16xf32>, vector<16xf32>, vector<16xf32>)  : i32 {
      %get3A = arith.index_cast %scan3A_42 : i32 to index
      %get3A_47 = arith.constant 0 : index
      %get3A_48 = tpu.vector_load %arg4[%get3A, %get3A_47] {strides = array<i32>} : memref<512x64xf32, #tpu.memory_space<vmem>>, vector<1x16xf32>,
      %get3A_49 = vector.shape_cast %get3A_48 : vector<1x16xf32> to vector<16xf32>
      %add3A_50 = arith.addf %scan3A_43, %get3A_49 : vector<16xf32>
      %get3A_51 = arith.index_cast %scan3A_42 : i32 to index
      %get3A_52 = arith.constant 16 : index
      %get3A_53 = tpu.vector_load %arg4[%get3A_51, %get3A_52] {strides = array<i32>} : memref<512x64xf32, #tpu.memory_space<vmem>>, vector<1x16xf32>,
      %get3A_54 = vector.shape_cast %get3A_53 : vector<1x16xf32> to vector<16xf32>
      %add3A_55 = arith.addf %scan3A_44, %get3A_54 : vector<16xf32>
      %get3A_56 = arith.index_cast %scan3A_42 : i32 to index
      %get3A_57 = arith.constant 32 : index
      %get3A_58 = tpu.vector_load %arg4[%get3A_56, %get3A_57] {strides = array<i32>} : memref<512x64xf32, #tpu.memory_space<vmem>>, vector<1x16xf32>,
      %get3A_59 = vector.shape_cast %get3A_58 : vector<1x16xf32> to vector<16xf32>
      %add3A_60 = arith.addf %scan3A_45, %get3A_59 : vector<16xf32>
      %get3A_61 = arith.index_cast %scan3A_42 : i32 to index
      %get3A_62 = arith.constant 48 : index
      %get3A_63 = tpu.vector_load %arg4[%get3A_61, %get3A_62] {strides = array<i32>} : memref<512x64xf32, #tpu.memory_space<vmem>>, vector<1x16xf32>,
      %get3A_64 = vector.shape_cast %get3A_63 : vector<1x16xf32> to vector<16xf32>
      %add3A_65 = arith.addf %scan3A_46, %get3A_64 : vector<16xf32>
      scf.yield %add3A_50, %add3A_55, %add3A_60, %add3A_65 : vector<16xf32>, vector<16xf32>, vector<16xf32>, vector<16xf32>
    }
    %scan3A_16 = arith.constant 512 : i32
    %mul3A_17 = arith.constant 1024 : i32
    %mul3A_18 = arith.muli %add3A, %mul3A_17 : i32
    %add3A_19 = arith.constant 512 : i32
    %add3A_20 = arith.addi %mul3A_18, %add3A_19 : i32
    "tpu.region"() ({
      %run_scoped3A = tpu.sem_alloc : memref<!tpu.dma_semaphore, #tpu.memory_space<semaphore_mem>>
      %dma_start3A = arith.constant 0 : i32
      %dma_start3A_42 = tpu.memref_slice %arg2[%add3A_20, %dma_start3A] : memref<32768x64xf32, #tpu.memory_space<hbm>> -> memref<512x64xf32, #tpu.memory_space<hbm>>
      %dma_start3A_43 = arith.constant 0 : i32
      %dma_start3A_44 = tpu.memref_slice %arg2[%add3A_20, %dma_start3A_43] : memref<32768x64xf32, #tpu.memory_space<hbm>> -> memref<512x64xf32, #tpu.memory_space<hbm>>
      tpu.enqueue_dma source(%dma_start3A_44 : memref<512x64xf32, #tpu.memory_space<hbm>>) target(%arg4 : memref<512x64xf32, #tpu.memory_space<vmem>>) target_semaphore(%run_scoped3A : memref<!tpu.dma_semaphore, #tpu.memory_space<semaphore_mem>>)
      %dma_wait3A = arith.constant 0 : i32
      %dma_wait3A_45 = tpu.memref_slice %arg2[%add3A_20, %dma_wait3A] : memref<32768x64xf32, #tpu.memory_space<hbm>> -> memref<512x64xf32, #tpu.memory_space<hbm>>
      %dma_wait3A_46 = arith.constant 0 : i32
      %dma_wait3A_47 = tpu.memref_slice %arg2[%add3A_20, %dma_wait3A_46] : memref<32768x64xf32, #tpu.memory_space<hbm>> -> memref<512x64xf32, #tpu.memory_space<hbm>>
      tpu.wait_dma2 semaphore(%run_scoped3A : memref<!tpu.dma_semaphore, #tpu.memory_space<semaphore_mem>>) src(%dma_wait3A_47 : memref<512x64xf32, #tpu.memory_space<hbm>>) dst(%arg4 : memref<512x64xf32, #tpu.memory_space<vmem>>)
      tpu.yield
    }) : () -> ()
    %scan3A_21 = arith.constant 0 : i32
    %scan3A_22 = arith.constant 512 : i32
    %scan3A_23 = arith.addi %scan3A_21, %scan3A_22 : i32
    %scan3A_24 = arith.constant 1 : i32
    %scan3A_25:4 = scf.for %scan3A_42 = %scan3A_21 to %scan3A_23 step %scan3A_24 iter_args(%scan3A_43 = %scan3A_15#0, %scan3A_44 = %scan3A_15#1, %scan3A_45 = %scan3A_15#2, %scan3A_46 = %scan3A_15#3) -> (vector<16xf32>, vector<16xf32>, vector<16xf32>, vector<16xf32>)  : i32 {
      %get3A = arith.index_cast %scan3A_42 : i32 to index
      %get3A_47 = arith.constant 0 : index
      %get3A_48 = tpu.vector_load %arg4[%get3A, %get3A_47] {strides = array<i32>} : memref<512x64xf32, #tpu.memory_space<vmem>>, vector<1x16xf32>,
      %get3A_49 = vector.shape_cast %get3A_48 : vector<1x16xf32> to vector<16xf32>
      %add3A_50 = arith.addf %scan3A_43, %get3A_49 : vector<16xf32>
      %get3A_51 = arith.index_cast %scan3A_42 : i32 to index
      %get3A_52 = arith.constant 16 : index
      %get3A_53 = tpu.vector_load %arg4[%get3A_51, %get3A_52] {strides = array<i32>} : memref<512x64xf32, #tpu.memory_space<vmem>>, vector<1x16xf32>,
      %get3A_54 = vector.shape_cast %get3A_53 : vector<1x16xf32> to vector<16xf32>
      %add3A_55 = arith.addf %scan3A_44, %get3A_54 : vector<16xf32>
      %get3A_56 = arith.index_cast %scan3A_42 : i32 to index
      %get3A_57 = arith.constant 32 : index
      %get3A_58 = tpu.vector_load %arg4[%get3A_56, %get3A_57] {strides = array<i32>} : memref<512x64xf32, #tpu.memory_space<vmem>>, vector<1x16xf32>,
      %get3A_59 = vector.shape_cast %get3A_58 : vector<1x16xf32> to vector<16xf32>
      %add3A_60 = arith.addf %scan3A_45, %get3A_59 : vector<16xf32>
      %get3A_61 = arith.index_cast %scan3A_42 : i32 to index
      %get3A_62 = arith.constant 48 : index
      %get3A_63 = tpu.vector_load %arg4[%get3A_61, %get3A_62] {strides = array<i32>} : memref<512x64xf32, #tpu.memory_space<vmem>>, vector<1x16xf32>,
      %get3A_64 = vector.shape_cast %get3A_63 : vector<1x16xf32> to vector<16xf32>
      %add3A_65 = arith.addf %scan3A_46, %get3A_64 : vector<16xf32>
      scf.yield %add3A_50, %add3A_55, %add3A_60, %add3A_65 : vector<16xf32>, vector<16xf32>, vector<16xf32>, vector<16xf32>
    }
    %scan3A_26 = arith.constant 512 : i32
    %swap3A = arith.constant 0 : index
    %swap3A_27 = tpu.vector_load %arg5[%swap3A] {strides = array<i32>} : memref<64xf32, #tpu.memory_space<vmem>>, vector<16xf32>,
    %swap3A_28 = vector.shape_cast %swap3A_27 : vector<16xf32> to vector<16xf32>
    %swap3A_29 = vector.shape_cast %scan3A_25#0 : vector<16xf32> to vector<16xf32>
    tpu.vector_store %arg5[%swap3A], %swap3A_29 {strides = array<i32>} : memref<64xf32, #tpu.memory_space<vmem>>, vector<16xf32>,
    %swap3A_30 = arith.constant 16 : index
    %swap3A_31 = tpu.vector_load %arg5[%swap3A_30] {strides = array<i32>} : memref<64xf32, #tpu.memory_space<vmem>>, vector<16xf32>,
    %swap3A_32 = vector.shape_cast %swap3A_31 : vector<16xf32> to vector<16xf32>
    %swap3A_33 = vector.shape_cast %scan3A_25#1 : vector<16xf32> to vector<16xf32>
    tpu.vector_store %arg5[%swap3A_30], %swap3A_33 {strides = array<i32>} : memref<64xf32, #tpu.memory_space<vmem>>, vector<16xf32>,
    %swap3A_34 = arith.constant 32 : index
    %swap3A_35 = tpu.vector_load %arg5[%swap3A_34] {strides = array<i32>} : memref<64xf32, #tpu.memory_space<vmem>>, vector<16xf32>,
    %swap3A_36 = vector.shape_cast %swap3A_35 : vector<16xf32> to vector<16xf32>
    %swap3A_37 = vector.shape_cast %scan3A_25#2 : vector<16xf32> to vector<16xf32>
    tpu.vector_store %arg5[%swap3A_34], %swap3A_37 {strides = array<i32>} : memref<64xf32, #tpu.memory_space<vmem>>, vector<16xf32>,
    %swap3A_38 = arith.constant 48 : index
    %swap3A_39 = tpu.vector_load %arg5[%swap3A_38] {strides = array<i32>} : memref<64xf32, #tpu.memory_space<vmem>>, vector<16xf32>,
    %swap3A_40 = vector.shape_cast %swap3A_39 : vector<16xf32> to vector<16xf32>
    %swap3A_41 = vector.shape_cast %scan3A_25#3 : vector<16xf32> to vector<16xf32>
    tpu.vector_store %arg5[%swap3A_38], %swap3A_41 {strides = array<i32>} : memref<64xf32, #tpu.memory_space<vmem>>, vector<16xf32>,
    "tpu.region"() ({
      %run_scoped3A = tpu.sem_alloc : memref<!tpu.dma_semaphore, #tpu.memory_space<semaphore_mem>>
      %dma_start3A = arith.constant 0 : i32
      %dma_start3A_42 = tpu.memref_slice %arg3[%add3A, %dma_start3A] : memref<32x64xf32, #tpu.memory_space<hbm>> -> memref<1x64xf32, #tpu.memory_space<hbm>>
      %dma_start3A_43 = tpu.memref_squeeze %dma_start3A_42 : memref<1x64xf32, #tpu.memory_space<hbm>> -> memref<64xf32, #tpu.memory_space<hbm>>
      %dma_start3A_44 = arith.constant 0 : i32
      %dma_start3A_45 = tpu.memref_slice %arg3[%add3A, %dma_start3A_44] : memref<32x64xf32, #tpu.memory_space<hbm>> -> memref<1x64xf32, #tpu.memory_space<hbm>>
      %dma_start3A_46 = tpu.memref_squeeze %dma_start3A_45 : memref<1x64xf32, #tpu.memory_space<hbm>> -> memref<64xf32, #tpu.memory_space<hbm>>
      tpu.enqueue_dma source(%arg5 : memref<64xf32, #tpu.memory_space<vmem>>) target(%dma_start3A_46 : memref<64xf32, #tpu.memory_space<hbm>>) target_semaphore(%run_scoped3A : memref<!tpu.dma_semaphore, #tpu.memory_space<semaphore_mem>>)
      %dma_wait3A = arith.constant 0 : i32
      %dma_wait3A_47 = tpu.memref_slice %arg3[%add3A, %dma_wait3A] : memref<32x64xf32, #tpu.memory_space<hbm>> -> memref<1x64xf32, #tpu.memory_space<hbm>>
      %dma_wait3A_48 = tpu.memref_squeeze %dma_wait3A_47 : memref<1x64xf32, #tpu.memory_space<hbm>> -> memref<64xf32, #tpu.memory_space<hbm>>
      %dma_wait3A_49 = arith.constant 0 : i32
      %dma_wait3A_50 = tpu.memref_slice %arg3[%add3A, %dma_wait3A_49] : memref<32x64xf32, #tpu.memory_space<hbm>> -> memref<1x64xf32, #tpu.memory_space<hbm>>
      %dma_wait3A_51 = tpu.memref_squeeze %dma_wait3A_50 : memref<1x64xf32, #tpu.memory_space<hbm>> -> memref<64xf32, #tpu.memory_space<hbm>>
      tpu.wait_dma2 semaphore(%run_scoped3A : memref<!tpu.dma_semaphore, #tpu.memory_space<semaphore_mem>>) src(%arg5 : memref<64xf32, #tpu.memory_space<vmem>>) dst(%dma_wait3A_51 : memref<64xf32, #tpu.memory_space<hbm>>)
      tpu.yield
    }) : () -> ()
    return
  }
}

module attributes {stable_mosaic.version = 14 : i64} {
  func.func @_tc_kernel(%arg0: i32, %arg1: i32, %arg2: memref<64x64xf32, #tpu.memory_space<vmem>>, %arg3: memref<1x64xf32, #tpu.memory_space<vmem>>, %arg4: memref<1x64xf32, #tpu.memory_space<vmem>>, %arg5: memref<1x64xf32, #tpu.memory_space<vmem>>, %arg6: memref<1x64xf32, #tpu.memory_space<vmem>>, %arg7: memref<8192x64xf32, #tpu.memory_space<vmem>>, %arg8: memref<64x128xf32, #tpu.memory_space<vmem>>, %arg9: memref<4x8192xf32, #tpu.memory_space<vmem>>, %arg10: memref<32x64xf32, #tpu.memory_space<vmem>>, %arg11: memref<8192x64xf32, #tpu.memory_space<vmem>>, %arg12: memref<4x8192x64xf32, #tpu.memory_space<vmem>>, %arg13: memref<64x64xf32, #tpu.memory_space<vmem>>, %arg14: memref<64x64xf32, #tpu.memory_space<vmem>>, %arg15: memref<17x64xf32, #tpu.memory_space<vmem>>) attributes {dimension_semantics = [#tpu.dimension_semantics<arbitrary>, #tpu.dimension_semantics<arbitrary>], iteration_bounds = array<i64: 2, 4>, scalar_prefetch = 0 : i64, scratch_operands = 4 : i64, tpu.core_type = #tpu.core_type<tc>, window_params = [{pipeline_mode = #tpu.pipeline_mode<synchronous>, transform_indices = @transform_0, window_bounds = array<i64: 64, 64>}, {pipeline_mode = #tpu.pipeline_mode<synchronous>, transform_indices = @transform_1, window_bounds = array<i64: 1, 64>}, {pipeline_mode = #tpu.pipeline_mode<synchronous>, transform_indices = @transform_2, window_bounds = array<i64: 1, 64>}, {pipeline_mode = #tpu.pipeline_mode<synchronous>, transform_indices = @transform_3, window_bounds = array<i64: 1, 64>}, {pipeline_mode = #tpu.pipeline_mode<synchronous>, transform_indices = @transform_4, window_bounds = array<i64: 1, 64>}, {transform_indices = @transform_5, window_bounds = array<i64: 8192, 64>}, {pipeline_mode = #tpu.pipeline_mode<synchronous>, transform_indices = @transform_6, window_bounds = array<i64: 64, 128>}, {pipeline_mode = #tpu.pipeline_mode<synchronous>, transform_indices = @transform_7, window_bounds = array<i64: 4, 8192>}, {pipeline_mode = #tpu.pipeline_mode<synchronous>, transform_indices = @transform_8, window_bounds = array<i64: 32, 64>}, {transform_indices = @transform_9, window_bounds = array<i64: 8192, 64>}]} {
    %eq3A = arith.constant 0 : i32
    %eq3A_0 = arith.cmpi eq, %arg0, %eq3A : i32
    %eq3A_1 = arith.constant 0 : i32
    %eq3A_2 = arith.cmpi eq, %arg1, %eq3A_1 : i32
    %and3A = arith.andi %eq3A_0, %eq3A_2 : i1
    %convert_element_type3A = arith.extui %and3A : i1 to i32
    %cond3A = arith.constant 0 : i32
    %cond3A_3 = arith.cmpi ne, %convert_element_type3A, %cond3A : i32
    scf.if %cond3A_3 {
      %iota3A = tpu.iota {dimensions = array<i32: 0>} : vector<64x64xi32>
      %iota3A_22 = tpu.iota {dimensions = array<i32: 1>} : vector<64x64xi32>
      %eq3A_23 = arith.cmpi eq, %iota3A, %iota3A_22 : vector<64x64xi32>
      %convert_element_type3A_24 = arith.extui %eq3A_23 : vector<64x64xi1> to vector<64x64xi32>
      %convert_element_type3A_25 = arith.sitofp %convert_element_type3A_24 : vector<64x64xi32> to vector<64x64xf32>
      %get3A = arith.constant 0 : index
      %get3A_26 = arith.constant 0 : index
      %get3A_27 = vector.load %arg8[%get3A, %get3A_26] : memref<64x128xf32, #tpu.memory_space<vmem>>, vector<64x64xf32>
      %dot_general3A = arith.constant dense<0.000000e+00> : vector<64x64xf32>
      %dot_general3A_28 = tpu.matmul %convert_element_type3A_25, %get3A_27, %dot_general3A {dimension_numbers = #tpu.dot_dimension_numbers<[1], [1], [0], [0], [0, 0, 1, 0], [], []>, transpose_lhs_hint = false} : vector<64x64xf32>, vector<64x64xf32>, vector<64x64xf32> -> vector<64x64xf32>
      %swap3A = arith.constant 0 : index
      %swap3A_29 = arith.constant 0 : index
      %swap3A_30 = vector.load %arg13[%swap3A, %swap3A_29] : memref<64x64xf32, #tpu.memory_space<vmem>>, vector<64x64xf32>
      tpu.vector_store %arg13[%swap3A, %swap3A_29], %dot_general3A_28 {strides = array<i32>} : memref<64x64xf32, #tpu.memory_space<vmem>>, vector<64x64xf32>,
    } else {
    }
    %eq3A_4 = arith.constant 0 : i32
    %eq3A_5 = arith.cmpi eq, %arg0, %eq3A_4 : i32
    %convert_element_type3A_6 = arith.extui %eq3A_5 : i1 to i32
    %cond3A_7 = arith.constant 0 : i32
    %cond3A_8 = arith.cmpi ne, %convert_element_type3A_6, %cond3A_7 : i32
    scf.if %cond3A_8 {
      %get3A = arith.constant 0 : index
      %get3A_22 = arith.constant 0 : index
      %get3A_23 = vector.load %arg7[%get3A, %get3A_22] : memref<8192x64xf32, #tpu.memory_space<vmem>>, vector<8192x64xf32>
      %get3A_24 = arith.constant 0 : index
      %get3A_25 = arith.constant 0 : index
      %get3A_26 = vector.load %arg13[%get3A_24, %get3A_25] : memref<64x64xf32, #tpu.memory_space<vmem>>, vector<64x64xf32>
      %dot_general3A = arith.constant dense<0.000000e+00> : vector<8192x64xf32>
      %dot_general3A_27 = tpu.matmul %get3A_23, %get3A_26, %dot_general3A {dimension_numbers = #tpu.dot_dimension_numbers<[1], [0], [0], [1], [0, 0, 1, 1], [], []>, transpose_lhs_hint = false} : vector<8192x64xf32>, vector<64x64xf32>, vector<8192x64xf32> -> vector<8192x64xf32>
      %swap3A = arith.index_cast %arg1 : i32 to index
      %swap3A_28 = arith.constant 0 : index
      %swap3A_29 = arith.constant 0 : index
      %swap3A_30 = vector.load %arg12[%swap3A, %swap3A_28, %swap3A_29] : memref<4x8192x64xf32, #tpu.memory_space<vmem>>, vector<1x8192x64xf32>
      %swap3A_31 = vector.shape_cast %swap3A_30 : vector<1x8192x64xf32> to vector<8192x64xf32>
      %swap3A_32 = vector.shape_cast %dot_general3A_27 : vector<8192x64xf32> to vector<1x8192x64xf32>
      tpu.vector_store %arg12[%swap3A, %swap3A_28, %swap3A_29], %swap3A_32 {strides = array<i32>} : memref<4x8192x64xf32, #tpu.memory_space<vmem>>, vector<1x8192x64xf32>,
      %dot_general3A_33 = arith.constant dense<0.000000e+00> : vector<64x64xf32>
      %dot_general3A_34 = tpu.matmul %get3A_23, %get3A_23, %dot_general3A_33 {dimension_numbers = #tpu.dot_dimension_numbers<[0], [0], [1], [1], [0, 1, 1, 1], [], []>, transpose_lhs_hint = false} : vector<8192x64xf32>, vector<8192x64xf32>, vector<64x64xf32> -> vector<64x64xf32>
      %eq3A_35 = arith.constant 0 : i32
      %eq3A_36 = arith.cmpi eq, %arg1, %eq3A_35 : i32
      %convert_element_type3A_37 = arith.extui %eq3A_36 : i1 to i32
      %cond3A_38 = arith.constant 0 : i32
      %cond3A_39 = arith.cmpi ne, %convert_element_type3A_37, %cond3A_38 : i32
      scf.if %cond3A_39 {
        %swap3A_44 = arith.constant 0 : index
        %swap3A_45 = arith.constant 0 : index
        %swap3A_46 = vector.load %arg14[%swap3A_44, %swap3A_45] : memref<64x64xf32, #tpu.memory_space<vmem>>, vector<64x64xf32>
        tpu.vector_store %arg14[%swap3A_44, %swap3A_45], %dot_general3A_34 {strides = array<i32>} : memref<64x64xf32, #tpu.memory_space<vmem>>, vector<64x64xf32>,
      } else {
      }
      %gt3A = arith.constant 0 : i32
      %gt3A_40 = arith.cmpi sgt, %arg1, %gt3A : i32
      %convert_element_type3A_41 = arith.extui %gt3A_40 : i1 to i32
      %cond3A_42 = arith.constant 0 : i32
      %cond3A_43 = arith.cmpi ne, %convert_element_type3A_41, %cond3A_42 : i32
      scf.if %cond3A_43 {
        %get3A_44 = arith.constant 0 : index
        %get3A_45 = arith.constant 0 : index
        %get3A_46 = vector.load %arg14[%get3A_44, %get3A_45] : memref<64x64xf32, #tpu.memory_space<vmem>>, vector<64x64xf32>
        %add3A = arith.addf %get3A_46, %dot_general3A_34 : vector<64x64xf32>
        %swap3A_47 = arith.constant 0 : index
        %swap3A_48 = arith.constant 0 : index
        %swap3A_49 = vector.load %arg14[%swap3A_47, %swap3A_48] : memref<64x64xf32, #tpu.memory_space<vmem>>, vector<64x64xf32>
        tpu.vector_store %arg14[%swap3A_47, %swap3A_48], %add3A {strides = array<i32>} : memref<64x64xf32, #tpu.memory_space<vmem>>, vector<64x64xf32>,
      } else {
      }
    } else {
    }
    %eq3A_9 = arith.constant 0 : i32
    %eq3A_10 = arith.cmpi eq, %arg0, %eq3A_9 : i32
    %eq3A_11 = arith.constant 3 : i32
    %eq3A_12 = arith.cmpi eq, %arg1, %eq3A_11 : i32
    %and3A_13 = arith.andi %eq3A_10, %eq3A_12 : i1
    %convert_element_type3A_14 = arith.extui %and3A_13 : i1 to i32
    %cond3A_15 = arith.constant 0 : i32
    %cond3A_16 = arith.cmpi ne, %convert_element_type3A_14, %cond3A_15 : i32
    scf.if %cond3A_16 {
      %get3A = arith.constant 0 : index
      %get3A_22 = arith.constant 0 : index
      %get3A_23 = vector.load %arg13[%get3A, %get3A_22] : memref<64x64xf32, #tpu.memory_space<vmem>>, vector<64x64xf32>
      %iota3A = tpu.iota {dimensions = array<i32: 1>} : vector<16x32xi32>
      %jit3A = arith.constant 2 : i32
      %div3A = vector.broadcast %jit3A : i32 to vector<16x32xi32>
      %div3A_24 = arith.divsi %iota3A, %div3A : vector<16x32xi32>
      %sign3A = arith.constant 0 : i32
      %sign3A_25 = vector.broadcast %sign3A : i32 to vector<16x32xi32>
      %sign3A_26 = arith.cmpi sgt, %iota3A, %sign3A_25 : vector<16x32xi32>
      %sign3A_27 = arith.extui %sign3A_26 : vector<16x32xi1> to vector<16x32xi32>
      %sign3A_28 = arith.constant 0 : i32
      %sign3A_29 = vector.broadcast %sign3A_28 : i32 to vector<16x32xi32>
      %sign3A_30 = arith.cmpi slt, %iota3A, %sign3A_29 : vector<16x32xi32>
      %sign3A_31 = arith.extui %sign3A_30 : vector<16x32xi1> to vector<16x32xi32>
      %sign3A_32 = arith.subi %sign3A_27, %sign3A_31 : vector<16x32xi32>
      %sign3A_33 = arith.constant 0 : i32
      %sign3A_34 = arith.cmpi sgt, %jit3A, %sign3A_33 : i32
      %sign3A_35 = arith.extui %sign3A_34 : i1 to i32
      %sign3A_36 = arith.constant 0 : i32
      %sign3A_37 = arith.cmpi slt, %jit3A, %sign3A_36 : i32
      %sign3A_38 = arith.extui %sign3A_37 : i1 to i32
      %sign3A_39 = arith.subi %sign3A_35, %sign3A_38 : i32
      %ne3A = vector.broadcast %sign3A_39 : i32 to vector<16x32xi32>
      %ne3A_40 = arith.cmpi ne, %sign3A_32, %ne3A : vector<16x32xi32>
      %rem3A = vector.broadcast %jit3A : i32 to vector<16x32xi32>
      %rem3A_41 = arith.remsi %iota3A, %rem3A : vector<16x32xi32>
      %ne3A_42 = arith.constant 0 : i32
      %ne3A_43 = vector.broadcast %ne3A_42 : i32 to vector<16x32xi32>
      %ne3A_44 = arith.cmpi ne, %rem3A_41, %ne3A_43 : vector<16x32xi32>
      %and3A_45 = arith.andi %ne3A_40, %ne3A_44 : vector<16x32xi1>
      %sub3A = arith.constant 1 : i32
      %sub3A_46 = vector.broadcast %sub3A : i32 to vector<16x32xi32>
      %sub3A_47 = arith.subi %div3A_24, %sub3A_46 : vector<16x32xi32>
      %select_n3A = arith.select %and3A_45, %sub3A_47, %div3A_24 : vector<16x32xi1>, vector<16x32xi32>
      %iota3A_48 = tpu.iota {dimensions = array<i32: 0>} : vector<16x32xi32>
      %eq3A_49 = arith.cmpi eq, %select_n3A, %iota3A_48 : vector<16x32xi32>
      %convert_element_type3A_50 = arith.extui %eq3A_49 : vector<16x32xi1> to vector<16x32xi32>
      %convert_element_type3A_51 = arith.sitofp %convert_element_type3A_50 : vector<16x32xi32> to vector<16x32xf32>
      %get3A_52 = arith.constant 0 : index
      %get3A_53 = arith.constant 0 : index
      %get3A_54 = vector.load %arg10[%get3A_52, %get3A_53] : memref<32x64xf32, #tpu.memory_space<vmem>>, vector<32x64xf32>
      %dot_general3A = arith.constant dense<0.000000e+00> : vector<16x64xf32>
      %dot_general3A_55 = tpu.matmul %convert_element_type3A_51, %get3A_54, %dot_general3A {dimension_numbers = #tpu.dot_dimension_numbers<[1], [0], [0], [1], [0, 0, 1, 1], [], []>, transpose_lhs_hint = false} : vector<16x32xf32>, vector<32x64xf32>, vector<16x64xf32> -> vector<16x64xf32>
      %dot_general3A_56 = arith.constant dense<0.000000e+00> : vector<16x64xf32>
      %dot_general3A_57 = tpu.matmul %dot_general3A_55, %get3A_23, %dot_general3A_56 {dimension_numbers = #tpu.dot_dimension_numbers<[1], [0], [0], [1], [0, 0, 1, 1], [], []>, transpose_lhs_hint = false} : vector<16x64xf32>, vector<64x64xf32>, vector<16x64xf32> -> vector<16x64xf32>
      %mul3A = arith.constant 4.8828125E-4 : f32
      %mul3A_58 = vector.broadcast %mul3A : f32 to vector<16x64xf32>
      %mul3A_59 = arith.mulf %dot_general3A_55, %mul3A_58 : vector<16x64xf32>
      %get3A_60 = arith.constant 0 : index
      %get3A_61 = arith.constant 0 : index
      %get3A_62 = vector.load %arg2[%get3A_60, %get3A_61] : memref<64x64xf32, #tpu.memory_space<vmem>>, vector<64x64xf32>
      %dot_general3A_63 = arith.constant dense<0.000000e+00> : vector<16x64xf32>
      %dot_general3A_64 = tpu.matmul %mul3A_59, %get3A_62, %dot_general3A_63 {dimension_numbers = #tpu.dot_dimension_numbers<[1], [1], [0], [0], [0, 0, 1, 0], [], []>, transpose_lhs_hint = false} : vector<16x64xf32>, vector<64x64xf32>, vector<16x64xf32> -> vector<16x64xf32>
      %get3A_65 = arith.constant 0 : index
      %get3A_66 = arith.constant 0 : index
      %get3A_67 = vector.load %arg3[%get3A_65, %get3A_66] : memref<1x64xf32, #tpu.memory_space<vmem>>, vector<1x64xf32>
      %add3A = vector.broadcast %get3A_67 : vector<1x64xf32> to vector<16x64xf32>
      %add3A_68 = arith.addf %dot_general3A_64, %add3A : vector<16x64xf32>
      %max3A = arith.constant 0.000000e+00 : f32
      %max3A_69 = vector.broadcast %max3A : f32 to vector<16x64xf32>
      %max3A_70 = arith.maximumf %add3A_68, %max3A_69 : vector<16x64xf32>
      %get3A_71 = arith.constant 0 : index
      %get3A_72 = arith.constant 64 : index
      %get3A_73 = vector.load %arg8[%get3A_71, %get3A_72] : memref<64x128xf32, #tpu.memory_space<vmem>>, vector<64x64xf32>
      %dot_general3A_74 = arith.constant dense<0.000000e+00> : vector<16x64xf32>
      %dot_general3A_75 = tpu.matmul %max3A_70, %get3A_73, %dot_general3A_74 {dimension_numbers = #tpu.dot_dimension_numbers<[1], [1], [0], [0], [0, 0, 1, 0], [], []>, transpose_lhs_hint = false} : vector<16x64xf32>, vector<64x64xf32>, vector<16x64xf32> -> vector<16x64xf32>
      %get3A_76 = arith.constant 0 : index
      %get3A_77 = arith.constant 0 : index
      %get3A_78 = vector.load %arg4[%get3A_76, %get3A_77] : memref<1x64xf32, #tpu.memory_space<vmem>>, vector<1x64xf32>
      %add3A_79 = vector.broadcast %get3A_78 : vector<1x64xf32> to vector<16x64xf32>
      %add3A_80 = arith.addf %dot_general3A_75, %add3A_79 : vector<16x64xf32>
      %get3A_81 = arith.constant 0 : index
      %get3A_82 = arith.constant 0 : index
      %get3A_83 = vector.load %arg14[%get3A_81, %get3A_82] : memref<64x64xf32, #tpu.memory_space<vmem>>, vector<64x64xf32>
      %dot_general3A_84 = arith.constant dense<0.000000e+00> : vector<64x64xf32>
      %dot_general3A_85 = tpu.matmul %get3A_83, %get3A_23, %dot_general3A_84 {dimension_numbers = #tpu.dot_dimension_numbers<[1], [0], [0], [1], [0, 0, 1, 1], [], []>, transpose_lhs_hint = false} : vector<64x64xf32>, vector<64x64xf32>, vector<64x64xf32> -> vector<64x64xf32>
      %mul3A_86 = arith.mulf %get3A_23, %dot_general3A_85 : vector<64x64xf32>
      %reduce_sum3A = arith.constant dense<0.000000e+00> : vector<64xf32>
      %reduce_sum3A_87 = vector.multi_reduction <add>, %mul3A_86, %reduce_sum3A [0] : vector<64x64xf32> to vector<64xf32>
      %broadcast_in_dim3A = vector.shape_cast %reduce_sum3A_87 : vector<64xf32> to vector<1x64xf32>
      %reduce_sum3A_88 = arith.constant dense<0.000000e+00> : vector<64xf32>
      %reduce_sum3A_89 = vector.multi_reduction <add>, %dot_general3A_57, %reduce_sum3A_88 [0] : vector<16x64xf32> to vector<64xf32>
      %broadcast_in_dim3A_90 = vector.shape_cast %reduce_sum3A_89 : vector<64xf32> to vector<1x64xf32>
      %reduce_sum3A_91 = arith.constant dense<0.000000e+00> : vector<64xf32>
      %reduce_sum3A_92 = vector.multi_reduction <add>, %add3A_80, %reduce_sum3A_91 [0] : vector<16x64xf32> to vector<64xf32>
      %broadcast_in_dim3A_93 = vector.shape_cast %reduce_sum3A_92 : vector<64xf32> to vector<1x64xf32>
      %mul3A_94 = arith.constant 2.048000e+03 : f32
      %mul3A_95 = vector.broadcast %mul3A_94 : f32 to vector<1x64xf32>
      %mul3A_96 = arith.mulf %mul3A_95, %broadcast_in_dim3A_93 : vector<1x64xf32>
      %add3A_97 = arith.addf %broadcast_in_dim3A_90, %mul3A_96 : vector<1x64xf32>
      %mul3A_98 = arith.constant 3.05175781E-5 : f32
      %mul3A_99 = vector.broadcast %mul3A_98 : f32 to vector<1x64xf32>
      %mul3A_100 = arith.mulf %add3A_97, %mul3A_99 : vector<1x64xf32>
      %mul3A_101 = arith.mulf %add3A_80, %dot_general3A_57 : vector<16x64xf32>
      %reduce_sum3A_102 = arith.constant dense<0.000000e+00> : vector<64xf32>
      %reduce_sum3A_103 = vector.multi_reduction <add>, %mul3A_101, %reduce_sum3A_102 [0] : vector<16x64xf32> to vector<64xf32>
      %broadcast_in_dim3A_104 = vector.shape_cast %reduce_sum3A_103 : vector<64xf32> to vector<1x64xf32>
      %mul3A_105 = arith.constant 2.000000e+00 : f32
      %mul3A_106 = vector.broadcast %mul3A_105 : f32 to vector<1x64xf32>
      %mul3A_107 = arith.mulf %mul3A_106, %broadcast_in_dim3A_104 : vector<1x64xf32>
      %add3A_108 = arith.addf %broadcast_in_dim3A, %mul3A_107 : vector<1x64xf32>
      %mul3A_109 = arith.mulf %add3A_80, %add3A_80 : vector<16x64xf32>
      %reduce_sum3A_110 = arith.constant dense<0.000000e+00> : vector<64xf32>
      %reduce_sum3A_111 = vector.multi_reduction <add>, %mul3A_109, %reduce_sum3A_110 [0] : vector<16x64xf32> to vector<64xf32>
      %broadcast_in_dim3A_112 = vector.shape_cast %reduce_sum3A_111 : vector<64xf32> to vector<1x64xf32>
      %mul3A_113 = arith.constant 2.048000e+03 : f32
      %mul3A_114 = vector.broadcast %mul3A_113 : f32 to vector<1x64xf32>
      %mul3A_115 = arith.mulf %mul3A_114, %broadcast_in_dim3A_112 : vector<1x64xf32>
      %add3A_116 = arith.addf %add3A_108, %mul3A_115 : vector<1x64xf32>
      %mul3A_117 = arith.constant 3.05175781E-5 : f32
      %mul3A_118 = vector.broadcast %mul3A_117 : f32 to vector<1x64xf32>
      %mul3A_119 = arith.mulf %add3A_116, %mul3A_118 : vector<1x64xf32>
      %mul3A_120 = arith.mulf %mul3A_100, %mul3A_100 : vector<1x64xf32>
      %sub3A_121 = arith.subf %mul3A_119, %mul3A_120 : vector<1x64xf32>
      %get3A_122 = arith.constant 0 : index
      %get3A_123 = arith.constant 0 : index
      %get3A_124 = vector.load %arg5[%get3A_122, %get3A_123] : memref<1x64xf32, #tpu.memory_space<vmem>>, vector<1x64xf32>
      %add3A_125 = arith.constant 9.99999974E-6 : f32
      %add3A_126 = vector.broadcast %add3A_125 : f32 to vector<1x64xf32>
      %add3A_127 = arith.addf %sub3A_121, %add3A_126 : vector<1x64xf32>
      %rsqrt3A = math.rsqrt %add3A_127 : vector<1x64xf32>
      %mul3A_128 = arith.mulf %get3A_124, %rsqrt3A : vector<1x64xf32>
      %get3A_129 = arith.constant 0 : index
      %get3A_130 = arith.constant 0 : index
      %get3A_131 = vector.load %arg6[%get3A_129, %get3A_130] : memref<1x64xf32, #tpu.memory_space<vmem>>, vector<1x64xf32>
      %mul3A_132 = arith.mulf %mul3A_100, %mul3A_128 : vector<1x64xf32>
      %sub3A_133 = arith.subf %get3A_131, %mul3A_132 : vector<1x64xf32>
      %swap3A = arith.constant 0 : index
      %swap3A_134 = arith.constant 0 : index
      %swap3A_135 = vector.load %arg15[%swap3A, %swap3A_134] : memref<17x64xf32, #tpu.memory_space<vmem>>, vector<1x64xf32>
      tpu.vector_store %arg15[%swap3A, %swap3A_134], %mul3A_128 {strides = array<i32>} : memref<17x64xf32, #tpu.memory_space<vmem>>, vector<1x64xf32>,
      %mul3A_136 = vector.broadcast %mul3A_128 : vector<1x64xf32> to vector<16x64xf32>
      %mul3A_137 = arith.mulf %add3A_80, %mul3A_136 : vector<16x64xf32>
      %add3A_138 = vector.broadcast %sub3A_133 : vector<1x64xf32> to vector<16x64xf32>
      %add3A_139 = arith.addf %add3A_138, %mul3A_137 : vector<16x64xf32>
      %swap3A_140 = arith.constant 1 : index
      %swap3A_141 = arith.constant 0 : index
      %swap3A_142 = vector.load %arg15[%swap3A_140, %swap3A_141] : memref<17x64xf32, #tpu.memory_space<vmem>>, vector<16x64xf32>
      tpu.vector_store %arg15[%swap3A_140, %swap3A_141], %add3A_139 {strides = array<i32>} : memref<17x64xf32, #tpu.memory_space<vmem>>, vector<16x64xf32>,
    } else {
    }
    %eq3A_17 = arith.constant 1 : i32
    %eq3A_18 = arith.cmpi eq, %arg0, %eq3A_17 : i32
    %convert_element_type3A_19 = arith.extui %eq3A_18 : i1 to i32
    %cond3A_20 = arith.constant 0 : i32
    %cond3A_21 = arith.cmpi ne, %convert_element_type3A_19, %cond3A_20 : i32
    scf.if %cond3A_21 {
      %get3A = arith.constant 0 : index
      %get3A_22 = arith.constant 0 : index
      %get3A_23 = vector.load %arg9[%get3A, %get3A_22] : memref<4x8192xf32, #tpu.memory_space<vmem>>, vector<4x8192xf32>
      %mul3A = arith.constant 4 : i32
      %mul3A_24 = arith.muli %mul3A, %arg1 : i32
      %add3A = arith.constant 1 : i32
      %add3A_25 = arith.addi %add3A, %mul3A_24 : i32
      %get3A_26 = arith.index_cast %add3A_25 : i32 to index
      %get3A_27 = arith.constant 0 : index
      %get3A_28 = vector.load %arg15[%get3A_26, %get3A_27] : memref<17x64xf32, #tpu.memory_space<vmem>>, vector<4x64xf32>
      %dot_general3A = arith.constant dense<0.000000e+00> : vector<8192x64xf32>
      %dot_general3A_29 = tpu.matmul %get3A_23, %get3A_28, %dot_general3A {dimension_numbers = #tpu.dot_dimension_numbers<[0], [0], [1], [1], [0, 1, 1, 1], [], []>, transpose_lhs_hint = false} : vector<4x8192xf32>, vector<4x64xf32>, vector<8192x64xf32> -> vector<8192x64xf32>
      %get3A_30 = arith.index_cast %arg1 : i32 to index
      %get3A_31 = arith.constant 0 : index
      %get3A_32 = arith.constant 0 : index
      %get3A_33 = vector.load %arg12[%get3A_30, %get3A_31, %get3A_32] : memref<4x8192x64xf32, #tpu.memory_space<vmem>>, vector<1x8192x64xf32>
      %get3A_34 = vector.shape_cast %get3A_33 : vector<1x8192x64xf32> to vector<8192x64xf32>
      %get3A_35 = arith.constant 0 : index
      %get3A_36 = arith.constant 0 : index
      %get3A_37 = vector.load %arg15[%get3A_35, %get3A_36] : memref<17x64xf32, #tpu.memory_space<vmem>>, vector<1x64xf32>
      %mul3A_38 = vector.broadcast %get3A_37 : vector<1x64xf32> to vector<8192x64xf32>
      %mul3A_39 = arith.mulf %get3A_34, %mul3A_38 : vector<8192x64xf32>
      %add3A_40 = arith.addf %mul3A_39, %dot_general3A_29 : vector<8192x64xf32>
      %max3A = arith.constant 0.000000e+00 : f32
      %max3A_41 = vector.broadcast %max3A : f32 to vector<8192x64xf32>
      %max3A_42 = arith.maximumf %add3A_40, %max3A_41 : vector<8192x64xf32>
      %swap3A = arith.constant 0 : index
      %swap3A_43 = arith.constant 0 : index
      %swap3A_44 = vector.load %arg11[%swap3A, %swap3A_43] : memref<8192x64xf32, #tpu.memory_space<vmem>>, vector<8192x64xf32>
      tpu.vector_store %arg11[%swap3A, %swap3A_43], %max3A_42 {strides = array<i32>} : memref<8192x64xf32, #tpu.memory_space<vmem>>, vector<8192x64xf32>,
    } else {
    }
    return
  }
  func.func @transform_0(%arg0: i32, %arg1: i32) -> (i32, i32) {
    %c0_i32 = arith.constant 0 : i32
    %c0_i32_0 = arith.constant 0 : i32
    %c0_i32_1 = arith.constant 0 : i32
    return %c0_i32, %c0_i32_0 : i32, i32
  }
  func.func @transform_1(%arg0: i32, %arg1: i32) -> (i32, i32) {
    %c0_i32 = arith.constant 0 : i32
    %c0_i32_0 = arith.constant 0 : i32
    %c0_i32_1 = arith.constant 0 : i32
    return %c0_i32, %c0_i32_0 : i32, i32
  }
  func.func @transform_2(%arg0: i32, %arg1: i32) -> (i32, i32) {
    %c0_i32 = arith.constant 0 : i32
    %c0_i32_0 = arith.constant 0 : i32
    %c0_i32_1 = arith.constant 0 : i32
    return %c0_i32, %c0_i32_0 : i32, i32
  }
  func.func @transform_3(%arg0: i32, %arg1: i32) -> (i32, i32) {
    %c0_i32 = arith.constant 0 : i32
    %c0_i32_0 = arith.constant 0 : i32
    %c0_i32_1 = arith.constant 0 : i32
    return %c0_i32, %c0_i32_0 : i32, i32
  }
  func.func @transform_4(%arg0: i32, %arg1: i32) -> (i32, i32) {
    %c0_i32 = arith.constant 0 : i32
    %c0_i32_0 = arith.constant 0 : i32
    %c0_i32_1 = arith.constant 0 : i32
    return %c0_i32, %c0_i32_0 : i32, i32
  }
  func.func @transform_5(%arg0: i32, %arg1: i32) -> (i32, i32) {
    %sub3A = arith.constant 1 : i32
    %sub3A_0 = arith.subi %sub3A, %arg0 : i32
    %mul3A = arith.muli %arg1, %sub3A_0 : i32
    %mul3A_1 = arith.constant 3 : i32
    %mul3A_2 = arith.muli %arg0, %mul3A_1 : i32
    %add3A = arith.addi %mul3A, %mul3A_2 : i32
    %c0_i32 = arith.constant 0 : i32
    %c0_i32_3 = arith.constant 0 : i32
    return %add3A, %c0_i32 : i32, i32
  }
  func.func @transform_6(%arg0: i32, %arg1: i32) -> (i32, i32) {
    %c0_i32 = arith.constant 0 : i32
    %c0_i32_0 = arith.constant 0 : i32
    %c0_i32_1 = arith.constant 0 : i32
    return %c0_i32, %c0_i32_0 : i32, i32
  }
  func.func @transform_7(%arg0: i32, %arg1: i32) -> (i32, i32) {
    %c0_i32 = arith.constant 0 : i32
    %c0_i32_0 = arith.constant 0 : i32
    %c0_i32_1 = arith.constant 0 : i32
    return %c0_i32, %c0_i32_0 : i32, i32
  }
  func.func @transform_8(%arg0: i32, %arg1: i32) -> (i32, i32) {
    %c0_i32 = arith.constant 0 : i32
    %c0_i32_0 = arith.constant 0 : i32
    %c0_i32_1 = arith.constant 0 : i32
    return %c0_i32, %c0_i32_0 : i32, i32
  }
  func.func @transform_9(%arg0: i32, %arg1: i32) -> (i32, i32) {
    %mul3A = arith.muli %arg1, %arg0 : i32
    %c0_i32 = arith.constant 0 : i32
    %c0_i32_0 = arith.constant 0 : i32
    return %mul3A, %c0_i32 : i32, i32
  }
}

</mosaic_0001>

<sc_bundles>
// kernel: _run.4.cloned.1.call-start
scs
__scs_entry_jumppad:
0x0: {  	(pc) =	sbr.rel $0x88, $3  }
0x1: {  	(tag) =	ssettag $0x0;
	lr =	simm.s32 $0x1  }
0x2: {  	[smem:$0x3F9A] =	sst lr;
	_ =	strace $0xD0000000  }
0x3: {  	_ = 	snop  }
0x4: {  	_ = 	snop  }
0x5: {  	_ = 	snop  }
0x6: {  	_ = 	snop  }
0x7: {  	_ = 	snop  }
__scs_overlays_trampoline_lowered:
0x8: {  	[smem:$0x3FA9] =	sst s0  }
0x9: {  	[smem:$0x3FAA] =	sst s1  }
0xa: {  	[smem:$0x3FAB] =	sst s2  }
0xb: {  	[smem:$0x3FAC] =	sst s3  }
0xc: {  	[smem:$0x3FAD] =	sst s4  }
0xd: {  	[smem:$0x3FAE] =	sst s5  }
0xe: {  	[smem:$0x3FAF] =	sst s6  }
0xf: {  	[smem:$0x3FB0] =	sst s7  }
0x10: {  	[smem:$0x3FB1] =	sst s8  }
0x11: {  	[smem:$0x3FB2] =	sst s9;
	s0 =	simm.s32 @!p0 $0x0  }
0x12: {  	s1 =	sld [smem:$0x3F98];
	s0 =	simm.s32 @p0 $0x1  }
0x13: {  	[smem:$0x3FB3] =	sst s0;
	s0 =	simm.s32 @!p1 $0x0  }
0x14: {  	s2 =	sld [smem:$0x3F97];
	s0 =	simm.s32 @p1 $0x1  }
0x15: {  	[smem:$0x3FB4] =	sst s0;
	s0 =	simm.s32 @!p2 $0x0  }
0x16: {  	s3 =	sld [smem:$0x3FDB];
	s0 =	simm.s32 @p2 $0x1  }
0x17: {  	s4 =	simm.s32 $0x1BF5;
	[smem:$0x3FB6] =	sst s0  }
0x18: {  	s0 =	sld [smem:$0x3F99];
	_ =	swait.ge [sflag:s4], $0x0  }
0x19: {  	s7 =	sld [smem:$0x3F9A]  }
0x1a: {  	s8 =	sadd.s32 $0xFFFFE003, lr  }
0x1b: {  	s9 =	sadd.s32 $0xFFFFFEF7, lr;
	s5 =	simm.s32 $0xFFFFFFFF;
	p2 =	slt.u32 s8, $0xFFFFF086  }
0x1c: {  	p1 =	slt.u32 s9, $0xF7A;
	s5 =	simm.s32 @!p2 $0x0  }
0x1d: {  	s5 =	simm.s32 @p1 $0x1;
	p0 =	seq.s32 s7, s2  }
0x1e: {  	s7 =	smul.u32 @!p0 $0xF7A, s2;
	p2 =	seq.s32 @!p0 s5, $0x0  }
0x1f: {  	s9 =	smul.u32 $0xF7A, s1;
	s8 =	simm.s32 @!p0 $0x1BF5;
	p2 =	por !p2, p0  }
0x20: {  	[sflag:s8] =	ssyncset.s32 @!p0 $0xFFFFF086;
	s6 =	sadd.s32 @!p0 s3, s7;
	s7 =	simm.s32 @!p0 $0x108  }
0x21: {  	s3 =	sadd.s32 s3, s9;
	s6 =	sadd.s32 @!p0 $0x88, s6;
	s7 =	simm.s32 @p2 $0x1082  }
0x22: {  	[simem:s7], [sflag:s8] =	dma.local @!p0 [hbm:s6], $0xF7A  }
0x23: {  	s9 =	sor.u32 $0xD0000000, s2;
	s6 =	simm.s32 $0x108;
	_ =	swait.ge @!p0 [sflag:s8], $0x0  }
0x24: {  	s3 =	sadd.s32 $0x88, s3;
	s6 =	simm.s32 @!p1 $0x1082;
	[sflag:s4] =	ssyncset.s32 $0xFFFFF086  }
0x25: {  	[simem:s6], [sflag:s4] =	dma.local [hbm:s3], $0xF7A  }
0x26: {  	[smem:$0x3F9A] =	sst s1;
	(tag) =	ssettag s2;
	_ =	strace s9  }
0x27: {  	s1 =	sld [smem:$0x3FAA]  }
0x28: {  	s2 =	sld [smem:$0x3FAB]  }
0x29: {  	s4 =	sld [smem:$0x3FAD]  }
0x2a: {  	p0 =	seq.s32 s5, $0x0;
	s5 =	sld [smem:$0x3FAE]  }
0x2b: {  	s6 =	sld [smem:$0x3FAF]  }
0x2c: {  	s7 =	sld [smem:$0x3FB0]  }
0x2d: {  	s3 =	simm.s32 $0x108;
	s8 =	sld [smem:$0x3FB1]  }
0x2e: {  	s3 =	simm.s32 @!p0 $0x1082;
	s9 =	sld [smem:$0x3FB2]  }
0x2f: {  	lr =	sadd.s32 s0, s3;
	s0 =	sld [smem:$0x3FA9]  }
0x30: {  	s3 =	sld [smem:$0x3FAC]  }
0x31: {  	[smem:$0x3FB5] =	sst s10  }
0x32: {  	s10 =	sld [smem:$0x3FB3];
	_ =	sdelay $0x3  }
0x33: {  	p0 =	seq.s32 s10, $0x1;
	s10 =	sld [smem:$0x3FB5];
	_ =	sdelay $0x3  }
0x34: {  	[smem:$0x3FB5] =	sst s10  }
0x35: {  	s10 =	sld [smem:$0x3FB4];
	_ =	sdelay $0x3  }
0x36: {  	p1 =	seq.s32 s10, $0x1;
	s10 =	sld [smem:$0x3FB5];
	_ =	sdelay $0x3  }
0x37: {  	[smem:$0x3FB5] =	sst s10  }
0x38: {  	s10 =	sld [smem:$0x3FB6]  }
0x39: {  	_ = 	snop;
	(pc) =	sbr.ind lr, $3  }
0x3a: {  	_ = 	snop  }
0x3b: {  	_ = 	snop  }
0x3c: {  	p2 =	seq.s32 s10, $0x1;
	s10 =	sld [smem:$0x3FB5]  }
0x3d: {  	_ =	shalt  }
0x3e: {  	_ =	shalt  }
0x3f: {  	_ =	shalt  }
0x40: {  	_ =	shalt  }
0x41: {  	_ =	shalt  }
0x42: {  	_ =	shalt  }
0x43: {  	_ =	shalt  }
0x44: {  	_ =	shalt  }
0x45: {  	_ =	shalt  }
0x46: {  	_ =	shalt  }
0x47: {  	_ =	shalt  }
0x48: {  	_ =	shalt  }
0x49: {  	_ =	shalt  }
0x4a: {  	_ =	shalt  }
0x4b: {  	_ =	shalt  }
0x4c: {  	_ =	shalt  }
0x4d: {  	_ =	shalt  }
0x4e: {  	_ =	shalt  }
0x4f: {  	_ =	shalt  }
0x50: {  	_ =	shalt  }
0x51: {  	_ =	shalt  }
0x52: {  	_ =	shalt  }
0x53: {  	_ =	shalt  }
0x54: {  	_ =	shalt  }
0x55: {  	_ =	shalt  }
0x56: {  	_ =	shalt  }
0x57: {  	_ =	shalt  }
0x58: {  	_ =	shalt  }
0x59: {  	_ =	shalt  }
0x5a: {  	_ =	shalt  }
0x5b: {  	_ =	shalt  }
0x5c: {  	_ =	shalt  }
0x5d: {  	_ =	shalt  }
0x5e: {  	_ =	shalt  }
0x5f: {  	_ =	shalt  }
0x60: {  	_ =	shalt  }
0x61: {  	_ =	shalt  }
0x62: {  	_ =	shalt  }
0x63: {  	_ =	shalt  }
0x64: {  	_ =	shalt  }
0x65: {  	_ =	shalt  }
0x66: {  	_ =	shalt  }
0x67: {  	_ =	shalt  }
0x68: {  	_ =	shalt  }
0x69: {  	_ =	shalt  }
0x6a: {  	_ =	shalt  }
0x6b: {  	_ =	shalt  }
0x6c: {  	_ =	shalt  }
0x6d: {  	_ =	shalt  }
0x6e: {  	_ =	shalt  }
0x6f: {  	_ =	shalt  }
0x70: {  	_ =	shalt  }
0x71: {  	_ =	shalt  }
0x72: {  	_ =	shalt  }
0x73: {  	_ =	shalt  }
0x74: {  	_ =	shalt  }
0x75: {  	_ =	shalt  }
0x76: {  	_ =	shalt  }
0x77: {  	_ =	shalt  }
0x78: {  	_ =	shalt  }
0x79: {  	_ =	shalt  }
0x7a: {  	_ =	shalt  }
0x7b: {  	_ =	shalt  }
0x7c: {  	_ =	shalt  }
0x7d: {  	_ =	shalt  }
0x7e: {  	_ =	shalt  }
0x7f: {  	_ =	shalt  }
0x80: {  	_ =	shalt  }
0x81: {  	_ =	shalt  }
0x82: {  	_ =	shalt  }
0x83: {  	_ =	shalt  }
0x84: {  	_ =	shalt  }
0x85: {  	_ =	shalt  }
0x86: {  	_ =	shalt  }
0x87: {  	_ =	shalt  }
.Lfunc_end0:
.L_simem_size_0:
called_computation_lowered:
.L_overlay_start_0:
0x88: {  	s2 =	sld [smem:$0x3FD9]  }
0x89: {  	s3 =	sld [smem:$0x3FFE];
	_ =	sdelay $0x1  }
0x8a: {  	s1 =	srdreg.scid  }
0x8b: {  	s0 =	sand.u32 $0x1, s1  }
0x8c: {  	s17 =	sshll.u32 s0, $0xA;
	s2 =	sadd.s32 s3, s2  }
0x8d: {  	s2 =	sadd.s32 s2, s17  }
0x8e: {  	[smem:$0x3FC1] =	sst s2  }
0x8f: {  	_ = 	snop  }
0x90: {  	s2 =	sld [smem:$0x3FD0];
	(tm) =	ssettm $0x1  }
0x91: {  	s18 =	sld [smem:$0x3FFB];
	_ =	sdelay $0x3  }
0x92: {  	_ =	strace s18  }
0x93: {  	s3 =	sld [smem:$0x3FFC];
	_ =	sdelay $0x3  }
0x94: {  	_ =	strace s3  }
0x95: {  	s3 =	sld [smem:$0x3FFD];
	_ =	sdelay $0x3  }
0x96: {  	_ =	strace s3  }
0x97: {  	_ =	strace $0x8FFFFFFF  }
0x98: {  	s19 =	sld [smem:$0x3FDB];
	_ =	sdelay $0x1  }
0x99: {  	s4 =	simm.s32 $_scs_section_size  }
0x9a: {  	s5 =	simm.s32 $_size__tile_overlayer_lowered;
	s6 =	simm.s32 $_tile_overlayer_lowered  }
0x9b: {  	s22 =	simm.s32 $0x1BFF;
	s21 =	sshll.u32 s6, $0x1;
	s3 =	sadd.s32 s4, s19  }
0x9c: {  	s7 =	simm.s32 $0x0;
	s20 =	sshll.u32 s5, $0x1;
	s5 =	sadd.s32 s21, s3  }
0x9d: {  	[timem:s7], [sflag:s22] =	dma.local [hbm:s5], s20  }
0x9e: {  	_ =	swait.ge [sflag:s22], s20  }
0x9f: {  	s4 =	ssub.s32 $0x0, s20;
	[sflag:s22] =	ssyncset.done $0x0  }
0xa0: {  	[sflag:s22] =	ssyncadd.s32 s4;
	_ =	sdelay $0x1  }
0xa1: {  	s23 =	simm.s32 $0x1B8B  }
0xa2: {  	_ =	swait.ge [sflag:s23], $0x1  }
0xa3: {  	[sflag:s23] =	ssyncset.done $0x0  }
0xa4: {  	s25 =	simm.s32 $0x1B8E;
	s24 =	sld [smem:$0x3FFE];
	[sflag:s23] =	ssyncadd.s32 $0xFFFFFFFF  }
0xa5: {  	s26 =	simm.s32 $execute0_lowered;
	[smem:$0x3FD2] =	sst s25  }
0xa6: {  	s5 =	sshll.u32 s26, $0x1;
	_ =	strace $0x80000046;
	[dreg:$0x1] =	wrdreg $0xFFFFFFFF  }
0xa7: {  	s28 =	simm.s32 $_size_execute0_lowered;
	s3 =	sadd.s32 s3, s5;
	[dreg:$0x0] =	wrdreg $0x0  }
0xa8: {  	s5 =	sshll.u32 s28, $0x1;
	[dreg:$0x2] =	wrdreg s3  }
0xa9: {  	[dreg:$0x3] =	wrdreg s5  }
0xaa: {  	[dreg:$0x4] =	wrdreg $0xC0  }
0xab: {  	_ =	task [dreg:s7], $0x5FFFF  }
0xac: {  	[dreg:$0x1] =	wrdreg $0xFFFFFFFF  }
0xad: {  	[dreg:$0x0] =	wrdreg $0x60  }
0xae: {  	[dreg:$0x2] =	wrdreg s24  }
0xaf: {  	[dreg:$0x3] =	wrdreg s2  }
0xb0: {  	[dreg:$0x4] =	wrdreg $0x9  }
0xb1: {  	_ =	task.clear_ibuf [dreg:s7], $0x5FFFF;
	_ =	strace $0x90000046  }
0xb2: {  	s29 =	simm.s32 $0x9;
	_ =	strace $0x80000048  }
0xb3: {  	_ =	swait.ge [sflag:s29], $0x1  }
0xb4: {  	[sflag:s29] =	ssyncadd.s32 $0xFFFFFFFF  }
0xb5: {  	_ =	strace $0x90000048  }
0xb6: {  	_ =	sfence  }
0xb7: {  	s30 =	sld [smem:$0x0];
	_ =	sdelay $0x2  }
0xb8: {  	s31 =	sshll.u32 s1, $0xD;
	s1 =	sshrl.u32 s1, $0x2  }
0xb9: {  	s3 =	sand.u32 $0x4000, s31;
	s1 =	sadd.s32 s1, s30  }
0xba: {  	s0 =	sor.u32 s3, s0;
	s1 =	sshll.u32 s1, $0x11  }
0xbb: {  	s0 =	sor.u32 s1, s0  }
0xbc: {  	s0 =	sadd.s32 $0x8F2B, s0  }
0xbd: {  	[sflag:s0] =	ssyncadd.remote.s32 $0x1  }
0xbe: {  	_ =	sfence.sel $0xFFFF  }
0xbf: {  	[dreg:$0x0] =	wrdreg $0xFFFFFFFF;
	(pc) =	sbr.abs _section_cstart, $3  }
0xc0: {  	[dreg:$0x1] =	wrdreg $0xFFFFFFFF  }
0xc1: {  	_ =	task.clear_ibuf [dreg:s7], $0x2FFFF;
	_ =	strace $0x9FFFFFFF  }
0xc2: {  	(tm) =	ssettm $0x7FFFFFFF  }
0xc3: {  	_ =	shalt  }
tec
execute0_lowered:
.L_overlay_start_1:
0x0: {  	(tag) =	ssettag $0x1  }
0x1: {  	s3 =	rddreg [dreg:$0x0]  }
0x2: {  	s1 =	srdreg.scid;
	s0 =	stileid.u32  }
0x3: {  	s5 =	rddreg [dreg:$0x1];
	s2 =	simm.s32 $0x0;
	s9 =	simm.s32 $0x0  }
0x4: {  	s4 =	sand.u32 $0x1, s1;
	s6 =	sshll.u32 s0, $0x1;
	s1 =	rddreg [dreg:$0x2]  }
0x5: {  	[smem:$0x7FF] =	sst s2;
	s6 =	sor.u32 s4, s6;
	s4 =	ssub.s32 $0x2, s4  }
0x6: {  	_ =	strace $0x80000047;
	s7 =	sshll.u32 s6, $0xE;
	s31 =	sshrl.u32 s4, $0x1  }
0x7: {  	s6 =	sshll.u32 s6, $0x4;
	s7 =	sadd.s32 s7, s3;
	s8 =	ssub.s32 s4, s31  }
0x8: {  	s5 =	sadd.s32 s5, s6;
	s3 =	sadd.s32 $0x1400, s7;
	s4 =	sadd.s32 $0x3400, s7  }
0x9: {  	s6 =	smax.u32 s8, $0x1;
	s7 =	simm.s32 $0x1;
	s8 =	simm.s32 $0x10000  }
.LBB2_1:
0xa: {  	[tilespmem:s2], [sflag:$0x1] =	stream.linear.gather [hbm4b:s3+s2], $0x10000, $0x38;
	[tilespmem:$0x10080] =	vst v63  }
0xb: {  	_ =	swait.ge [sflag:s7], $0x10000  }
0xc: {  	[sflag:s7] =	ssyncset.done $0x0  }
0xd: {  	s11 =	simm.s32 $0x0;
	[sflag:s7] =	ssyncadd.s32 $0xFFFF0000  }
0xe: {  	v1 =	vld [tilespmem:s11+$0x30]  }
0xf: {  	v2 =	vld [tilespmem:s11+$0x0]  }
0x10: {  	v0 =	vimm.f32 $0.0e+00;
	v3 =	vld [tilespmem:s11+$0x10]  }
0x11: {  	s10 =	simm.s32 $0x200;
	v7 =	vimm.f32 $0.0e+00;
	v5 =	vimm.f32 $0.0e+00;
	v6 =	vimm.f32 $0.0e+00;
	v4 =	vld [tilespmem:s11+$0x20]  }
.LBB2_2:
0x12: {  	p0 =	sne.s32 s10, $0x3FE00  }
.Ltmp0:
0x13: {  	s11 =	sshra.s32 s10, $0x2;
	s10 =	sadd.s32 $0x200, s10;
	v0 =	vadd.f32 v1, v0;
	(pc) =	sbr.rel @p0 .LBB2_2-.Ltmp0, $4  }
0x14: {  	v1 =	vld [tilespmem:s11+$0x30];
	v7 =	vadd.f32 v2, v7  }
0x15: {  	v2 =	vld [tilespmem:s11+$0x0];
	v5 =	vadd.f32 v3, v5  }
0x16: {  	v3 =	vld [tilespmem:s11+$0x10];
	v6 =	vadd.f32 v4, v6  }
0x17: {  	v4 =	vld [tilespmem:s11+$0x20]  }
0x18: {  	s10 =	simm.s32 $0x0  }
0x19: {  	[tilespmem:s10], [sflag:$0x1] =	stream.linear.gather [hbm4b:s4+s10], $0x10000, $0x38;
	[tilespmem:$0x10080] =	vst v63  }
0x1a: {  	_ =	swait.ge [sflag:s7], $0x10000  }
0x1b: {  	[sflag:s7] =	ssyncset.done $0x0  }
0x1c: {  	s11 =	simm.s32 $0x0;
	[sflag:s7] =	ssyncadd.s32 $0xFFFF0000  }
0x1d: {  	v8 =	vld [tilespmem:s11+$0x30]  }
0x1e: {  	v9 =	vld [tilespmem:s11+$0x0]  }
0x1f: {  	v0 =	vadd.f32 v1, v0;
	v1 =	vadd.f32 v2, v7;
	v7 =	vld [tilespmem:s11+$0x10]  }
0x20: {  	s10 =	simm.s32 $0x200;
	v2 =	vadd.f32 v3, v5;
	v3 =	vadd.f32 v4, v6;
	v4 =	vld [tilespmem:s11+$0x20]  }
.LBB2_4:
0x21: {  	p0 =	sne.s32 s10, $0x3FE00  }
.Ltmp1:
0x22: {  	s11 =	sshra.s32 s10, $0x2;
	s10 =	sadd.s32 $0x200, s10;
	v0 =	vadd.f32 v8, v0;
	(pc) =	sbr.rel @p0 .LBB2_4-.Ltmp1, $4  }
0x23: {  	v8 =	vld [tilespmem:s11+$0x30];
	v1 =	vadd.f32 v9, v1  }
0x24: {  	v9 =	vld [tilespmem:s11+$0x0];
	v2 =	vadd.f32 v7, v2  }
0x25: {  	v7 =	vld [tilespmem:s11+$0x10];
	v3 =	vadd.f32 v4, v3  }
0x26: {  	v4 =	vld [tilespmem:s11+$0x20]  }
0x27: {  	_ = 	snop  }
0x28: {  	v0 =	vadd.f32 v8, v0  }
0x29: {  	v1 =	vadd.f32 v9, v1  }
0x2a: {  	v2 =	vadd.f32 v7, v2;
	[tilespmem:$0x10030] =	vst v0  }
0x2b: {  	s9 =	sadd.s32 $0x1, s9;
	v3 =	vadd.f32 v4, v3;
	[tilespmem:$0x10000] =	vst v1  }
0x2c: {  	p0 =	sne.s32 s9, s6;
	[tilespmem:$0x10010] =	vst v2  }
.Ltmp2:
0x2d: {  	[tilespmem:$0x10020] =	vst v3;
	(pc) =	sbr.rel @p0 .LBB2_1-.Ltmp2, $4  }
0x2e: {  	[hbm4b:s5+s2] =	stream.linear.scatter [tilespmem:s8], [sflag:$0x1], $0x80, $0x38;
	[tilespmem:$0x10080] =	vst v63  }
0x2f: {  	_ =	swait.ge [sflag:s7], $0x80  }
0x30: {  	[sflag:s7] =	ssyncset.done $0x0  }
0x31: {  	[sflag:s7] =	ssyncadd.s32 $0xFFFFFF80  }
0x32: {  	_ =	sfence.sel $0x180000  }
0x33: {  	[bflag:$0x0] =	sbarrier.arrive $0xFFFF  }
0x34: {  	p0 =	sne.s32 s0, $0x0;
	_ =	strace $0x90000047  }
0x35: {  	s0 =	sadd.s32 @!p0 $0x100000, s1;
	[bflag:$0x2] =	sbarrier.arrive $0xFFFF  }
0x36: {  	[sflag:s0] =	ssyncadd.tile.s32 @!p0 $0x1;
	_ =	shalt  }
.Lfunc_end2:
_tile_overlayer_lowered:
.L_overlay_start_2:
0x37: {  	(tag) =	ssettag $0x2  }
0x38: {  	s0 =	rddreg [dreg:$0x0];
	s2 =	stileid.u32  }
0x39: {  	s1 =	rddreg [dreg:$0x1];
	p0 =	sne.s32 s2, $0x0  }
0x3a: {  	s3 =	rddreg [dreg:$0x2];
	[bflag:$0x3] =	sbarrier.arrive $0xFFFF;
	s2 =	simm.s32 @!p0 $0x1C01  }
0x3b: {  	[timem:s3], [sflag:s2] =	dma.local @!p0 [hbm:s0], s1  }
0x3c: {  	s0 =	simm.s32 @!p0 $0x1  }
0x3d: {  	_ =	swait.ge @!p0 [sflag:s0], s1  }
0x3e: {  	s1 =	ssub.s32 @!p0 $0x0, s1;
	[sflag:s0] =	ssyncset.done @!p0 $0x0  }
0x3f: {  	[sflag:s0] =	ssyncadd.s32 @!p0 s1  }
0x40: {  	[bflag:$0x3] =	sbarrier.arrive $0xFFFF  }
0x41: {  	_ =	shalt  }

</sc_bundles>
